<compile_context>
chip_gen: v7x
topology: tpu7x:2x2x1
jax: 0.10.2.dev20260603
libtpu: 0.0.44.dev20260713+nightly
codegen_flags: <defaults>
</compile_context>

<pallas_src>
import functools

import jax
import jax.numpy as jnp
from jax import lax
from jax.experimental import pallas as pl
from jax.experimental.pallas import tpu as pltpu
from jax.experimental.pallas import tpu_sc as plsc

D = 128
L = 200
NC = 2
NS = 16
NW = NC * NS
NLANE = 16
NACC = D // NLANE


def _sc_body(text_t_hbm, table_hbm, out_hbm, idxs_v, acc_v, sem, isem):
    bpw = text_t_hbm.shape[1] // NW
    wid = lax.axis_index("s") * NC + lax.axis_index("c")
    base = wid * bpw

    idx_copy = pltpu.async_copy(text_t_hbm.at[:, pl.ds(base, bpw)], idxs_v,
                                isem)

    zeros = jnp.zeros((NLANE,), jnp.float32)

    def zero_body(i, carry):
        for c in range(NACC):
            acc_v[i, pl.ds(NLANE * c, NLANE)] = zeros
        return carry

    lax.fori_loop(0, bpw, zero_body, 0)
    idx_copy.wait()

    def fire_body(t, carry):
        pltpu.async_copy(table_hbm.at[idxs_v.at[t]], acc_v, sem, add=True)
        return carry

    lax.fori_loop(0, L, fire_body, 0)

    def drain_body(t, carry):
        pltpu.make_async_copy(table_hbm.at[pl.ds(0, bpw)], acc_v, sem).wait()
        return carry

    lax.fori_loop(0, L, drain_body, 0)

    scale = jnp.float32(1.0 / L)

    def scale_body(i, carry):
        for c in range(NACC):
            acc_v[i, pl.ds(NLANE * c, NLANE)] = (
                acc_v[i, pl.ds(NLANE * c, NLANE)] * scale)
        return carry

    lax.fori_loop(0, bpw, scale_body, 0)
    pltpu.sync_copy(acc_v, out_hbm.at[pl.ds(base, bpw)])


def kernel(text, embeddings):
    batch = text.shape[0]
    bpw = batch // NW
    run = functools.partial(
        pl.kernel,
        mesh=plsc.VectorSubcoreMesh(core_axis_name="c", subcore_axis_name="s"),
        out_type=jax.ShapeDtypeStruct((batch, D), jnp.float32),
        scratch_types=[
            pltpu.VMEM((L, bpw), jnp.int32),
            pltpu.VMEM((bpw, D), jnp.float32),
            pltpu.SemaphoreType.DMA,
            pltpu.SemaphoreType.DMA,
        ],
    )(_sc_body)
    return run(text.astype(jnp.int32).T, embeddings)

# --- scband reference (transcript-rebuilt; emitter-appended) ---
"""Pipeline reference for scband-baseline-23502061044261 (READ-ONLY COPY).

The authoritative reference and input builder live on the scoring server;
editing this copy changes nothing except your own understanding.
"""

import jax, jax.numpy as jnp
import numpy as np

VOCAB = 100000
EMBED_DIM = 128
BATCH = 4096
HIST_LEN = 200


def setup_inputs(seed: int = 0) -> dict:
    key = jax.random.key(seed)
    k1, k2 = jax.random.split(key)
    text = jax.random.randint(k1, (BATCH, HIST_LEN), 0, VOCAB, dtype=jnp.int64 if jax.config.read('jax_enable_x64') else jnp.int32)
    embeddings = jax.random.normal(k2, (VOCAB, EMBED_DIM), dtype=jnp.float32)
    return {"text": text, "embeddings": embeddings}


def reference(text, embeddings):
    # nn.Embedding.from_pretrained lookup (frozen table)
    embedded = jnp.take(embeddings, text, axis=0)  # [B, L, D]
    # torch.mean(embedded, dim=1)
    mean_embedded = jnp.mean(embedded, axis=1)  # [B, D]
    return mean_embedded

if __name__ == "__main__":
    import jax
    _d = setup_inputs()
    print(jax.jit(kernel)(*tuple(_d.values())))

</pallas_src>

<mosaic_0001>
#map = affine_map<(d0, d1) -> (0, 0)>
module attributes {stable_mosaic.version = 14 : i64} {
  func.func @_sc_body(%arg0: i32, %arg1: i32, %arg2: memref<200x4096xi32, #tpu.memory_space<hbm>>, %arg3: memref<100000x128xf32, #tpu.memory_space<hbm>>, %arg4: memref<4096x128xf32, #tpu.memory_space<hbm>>, %arg5: memref<200x128xi32, #tpu.memory_space<vmem>>, %arg6: memref<128x128xf32, #tpu.memory_space<vmem>>, %arg7: memref<!tpu.dma_semaphore, #tpu.memory_space<semaphore_mem>>, %arg8: memref<!tpu.dma_semaphore, #tpu.memory_space<semaphore_mem>>) attributes {dimension_semantics = [#tpu.dimension_semantics<core_parallel>, #tpu.dimension_semantics<subcore_parallel>], iteration_bounds = array<i64: 2, 16>, scalar_prefetch = 0 : i64, scratch_operands = 4 : i64, tpu.core_type = #tpu.core_type<sc_vector_subcore>, window_params = [{transform_indices = #map}, {transform_indices = #map}, {transform_indices = #map}]} {
    %mul3A = arith.constant 2 : i32
    %mul3A_0 = arith.muli %arg1, %mul3A : i32
    %add3A = arith.addi %mul3A_0, %arg0 : i32
    %mul3A_1 = arith.constant 128 : i32
    %mul3A_2 = arith.muli %add3A, %mul3A_1 : i32
    %dma_start3A = arith.constant 0 : i32
    %dma_start3A_3 = tpu.memref_slice %arg2[%dma_start3A, %mul3A_2] : memref<200x4096xi32, #tpu.memory_space<hbm>> -> memref<200x128xi32, #tpu.memory_space<hbm>>
    %dma_start3A_4 = arith.constant 0 : i32
    %dma_start3A_5 = tpu.memref_slice %arg2[%dma_start3A_4, %mul3A_2] : memref<200x4096xi32, #tpu.memory_space<hbm>> -> memref<200x128xi32, #tpu.memory_space<hbm>>
    tpu.enqueue_dma source(%dma_start3A_5 : memref<200x128xi32, #tpu.memory_space<hbm>>) target(%arg5 : memref<200x128xi32, #tpu.memory_space<vmem>>) target_semaphore(%arg8 : memref<!tpu.dma_semaphore, #tpu.memory_space<semaphore_mem>>)
    %broadcast_in_dim3A = arith.constant 0.000000e+00 : f32
    %broadcast_in_dim3A_6 = vector.broadcast %broadcast_in_dim3A : f32 to vector<16xf32>
    %scan3A = arith.constant 0 : i32
    %scan3A_7 = arith.constant 0 : i32
    %scan3A_8 = arith.constant 128 : i32
    %scan3A_9 = arith.addi %scan3A_7, %scan3A_8 : i32
    %scan3A_10 = arith.constant 1 : i32
    scf.for %scan3A_34 = %scan3A_7 to %scan3A_9 step %scan3A_10  : i32 {
      %swap3A = arith.index_cast %scan3A_34 : i32 to index
      %swap3A_35 = arith.constant 0 : index
      %swap3A_36 = tpu.vector_load %arg6[%swap3A, %swap3A_35] {strides = array<i32>} : memref<128x128xf32, #tpu.memory_space<vmem>>, vector<1x16xf32>,
      %swap3A_37 = vector.shape_cast %swap3A_36 : vector<1x16xf32> to vector<16xf32>
      %swap3A_38 = vector.shape_cast %broadcast_in_dim3A_6 : vector<16xf32> to vector<1x16xf32>
      tpu.vector_store %arg6[%swap3A, %swap3A_35], %swap3A_38 {strides = array<i32>} : memref<128x128xf32, #tpu.memory_space<vmem>>, vector<1x16xf32>,
      %swap3A_39 = arith.index_cast %scan3A_34 : i32 to index
      %swap3A_40 = arith.constant 16 : index
      %swap3A_41 = tpu.vector_load %arg6[%swap3A_39, %swap3A_40] {strides = array<i32>} : memref<128x128xf32, #tpu.memory_space<vmem>>, vector<1x16xf32>,
      %swap3A_42 = vector.shape_cast %swap3A_41 : vector<1x16xf32> to vector<16xf32>
      %swap3A_43 = vector.shape_cast %broadcast_in_dim3A_6 : vector<16xf32> to vector<1x16xf32>
      tpu.vector_store %arg6[%swap3A_39, %swap3A_40], %swap3A_43 {strides = array<i32>} : memref<128x128xf32, #tpu.memory_space<vmem>>, vector<1x16xf32>,
      %swap3A_44 = arith.index_cast %scan3A_34 : i32 to index
      %swap3A_45 = arith.constant 32 : index
      %swap3A_46 = tpu.vector_load %arg6[%swap3A_44, %swap3A_45] {strides = array<i32>} : memref<128x128xf32, #tpu.memory_space<vmem>>, vector<1x16xf32>,
      %swap3A_47 = vector.shape_cast %swap3A_46 : vector<1x16xf32> to vector<16xf32>
      %swap3A_48 = vector.shape_cast %broadcast_in_dim3A_6 : vector<16xf32> to vector<1x16xf32>
      tpu.vector_store %arg6[%swap3A_44, %swap3A_45], %swap3A_48 {strides = array<i32>} : memref<128x128xf32, #tpu.memory_space<vmem>>, vector<1x16xf32>,
      %swap3A_49 = arith.index_cast %scan3A_34 : i32 to index
      %swap3A_50 = arith.constant 48 : index
      %swap3A_51 = tpu.vector_load %arg6[%swap3A_49, %swap3A_50] {strides = array<i32>} : memref<128x128xf32, #tpu.memory_space<vmem>>, vector<1x16xf32>,
      %swap3A_52 = vector.shape_cast %swap3A_51 : vector<1x16xf32> to vector<16xf32>
      %swap3A_53 = vector.shape_cast %broadcast_in_dim3A_6 : vector<16xf32> to vector<1x16xf32>
      tpu.vector_store %arg6[%swap3A_49, %swap3A_50], %swap3A_53 {strides = array<i32>} : memref<128x128xf32, #tpu.memory_space<vmem>>, vector<1x16xf32>,
      %swap3A_54 = arith.index_cast %scan3A_34 : i32 to index
      %swap3A_55 = arith.constant 64 : index
      %swap3A_56 = tpu.vector_load %arg6[%swap3A_54, %swap3A_55] {strides = array<i32>} : memref<128x128xf32, #tpu.memory_space<vmem>>, vector<1x16xf32>,
      %swap3A_57 = vector.shape_cast %swap3A_56 : vector<1x16xf32> to vector<16xf32>
      %swap3A_58 = vector.shape_cast %broadcast_in_dim3A_6 : vector<16xf32> to vector<1x16xf32>
      tpu.vector_store %arg6[%swap3A_54, %swap3A_55], %swap3A_58 {strides = array<i32>} : memref<128x128xf32, #tpu.memory_space<vmem>>, vector<1x16xf32>,
      %swap3A_59 = arith.index_cast %scan3A_34 : i32 to index
      %swap3A_60 = arith.constant 80 : index
      %swap3A_61 = tpu.vector_load %arg6[%swap3A_59, %swap3A_60] {strides = array<i32>} : memref<128x128xf32, #tpu.memory_space<vmem>>, vector<1x16xf32>,
      %swap3A_62 = vector.shape_cast %swap3A_61 : vector<1x16xf32> to vector<16xf32>
      %swap3A_63 = vector.shape_cast %broadcast_in_dim3A_6 : vector<16xf32> to vector<1x16xf32>
      tpu.vector_store %arg6[%swap3A_59, %swap3A_60], %swap3A_63 {strides = array<i32>} : memref<128x128xf32, #tpu.memory_space<vmem>>, vector<1x16xf32>,
      %swap3A_64 = arith.index_cast %scan3A_34 : i32 to index
      %swap3A_65 = arith.constant 96 : index
      %swap3A_66 = tpu.vector_load %arg6[%swap3A_64, %swap3A_65] {strides = array<i32>} : memref<128x128xf32, #tpu.memory_space<vmem>>, vector<1x16xf32>,
      %swap3A_67 = vector.shape_cast %swap3A_66 : vector<1x16xf32> to vector<16xf32>
      %swap3A_68 = vector.shape_cast %broadcast_in_dim3A_6 : vector<16xf32> to vector<1x16xf32>
      tpu.vector_store %arg6[%swap3A_64, %swap3A_65], %swap3A_68 {strides = array<i32>} : memref<128x128xf32, #tpu.memory_space<vmem>>, vector<1x16xf32>,
      %swap3A_69 = arith.index_cast %scan3A_34 : i32 to index
      %swap3A_70 = arith.constant 112 : index
      %swap3A_71 = tpu.vector_load %arg6[%swap3A_69, %swap3A_70] {strides = array<i32>} : memref<128x128xf32, #tpu.memory_space<vmem>>, vector<1x16xf32>,
      %swap3A_72 = vector.shape_cast %swap3A_71 : vector<1x16xf32> to vector<16xf32>
      %swap3A_73 = vector.shape_cast %broadcast_in_dim3A_6 : vector<16xf32> to vector<1x16xf32>
      tpu.vector_store %arg6[%swap3A_69, %swap3A_70], %swap3A_73 {strides = array<i32>} : memref<128x128xf32, #tpu.memory_space<vmem>>, vector<1x16xf32>,
    }
    %scan3A_11 = arith.constant 128 : i32
    %dma_wait3A = arith.constant 0 : i32
    %dma_wait3A_12 = tpu.memref_slice %arg2[%dma_wait3A, %mul3A_2] : memref<200x4096xi32, #tpu.memory_space<hbm>> -> memref<200x128xi32, #tpu.memory_space<hbm>>
    %dma_wait3A_13 = arith.constant 0 : i32
    %dma_wait3A_14 = tpu.memref_slice %arg2[%dma_wait3A_13, %mul3A_2] : memref<200x4096xi32, #tpu.memory_space<hbm>> -> memref<200x128xi32, #tpu.memory_space<hbm>>
    tpu.wait_dma2 semaphore(%arg8 : memref<!tpu.dma_semaphore, #tpu.memory_space<semaphore_mem>>) src(%dma_wait3A_14 : memref<200x128xi32, #tpu.memory_space<hbm>>) dst(%arg5 : memref<200x128xi32, #tpu.memory_space<vmem>>)
    %scan3A_15 = arith.constant 0 : i32
    %scan3A_16 = arith.constant 0 : i32
    %scan3A_17 = arith.constant 200 : i32
    %scan3A_18 = arith.addi %scan3A_16, %scan3A_17 : i32
    %scan3A_19 = arith.constant 1 : i32
    scf.for %scan3A_34 = %scan3A_16 to %scan3A_18 step %scan3A_19  : i32 {
      %dma_start3A_35 = arith.constant 0 : i32
      %dma_start3A_36 = tpu.memref_slice %arg5[%scan3A_34, %dma_start3A_35] : memref<200x128xi32, #tpu.memory_space<vmem>> -> memref<1x128xi32, #tpu.memory_space<vmem>>
      %dma_start3A_37 = tpu.memref_squeeze %dma_start3A_36 : memref<1x128xi32, #tpu.memory_space<vmem>> -> memref<128xi32, #tpu.memory_space<vmem>>
      %dma_start3A_38 = arith.constant 0 : i32
      %dma_start3A_39 = arith.constant 0 : i32
      %dma_start3A_40 = tpu.memref_slice %arg3[%dma_start3A_38, %dma_start3A_39] : memref<100000x128xf32, #tpu.memory_space<hbm>> -> memref<100000x128xf32, #tpu.memory_space<hbm>>
      tpu.enqueue_indirect_dma source(%dma_start3A_40 : memref<100000x128xf32, #tpu.memory_space<hbm>>) target(%arg6 : memref<128x128xf32, #tpu.memory_space<vmem>>) offsets(%dma_start3A_37 : memref<128xi32, #tpu.memory_space<vmem>>) semaphore(%arg7 : memref<!tpu.dma_semaphore, #tpu.memory_space<semaphore_mem>>) {add = true}
    }
    %scan3A_20 = arith.constant 200 : i32
    %scan3A_21 = arith.constant 0 : i32
    %scan3A_22 = arith.constant 0 : i32
    %scan3A_23 = arith.constant 200 : i32
    %scan3A_24 = arith.addi %scan3A_22, %scan3A_23 : i32
    %scan3A_25 = arith.constant 1 : i32
    scf.for %scan3A_34 = %scan3A_22 to %scan3A_24 step %scan3A_25  : i32 {
      %dma_wait3A_35 = arith.constant 0 : i32
      %dma_wait3A_36 = arith.constant 0 : i32
      %dma_wait3A_37 = tpu.memref_slice %arg3[%dma_wait3A_35, %dma_wait3A_36] : memref<100000x128xf32, #tpu.memory_space<hbm>> -> memref<128x128xf32, #tpu.memory_space<hbm>>
      %dma_wait3A_38 = arith.constant 0 : i32
      %dma_wait3A_39 = arith.constant 0 : i32
      %dma_wait3A_40 = tpu.memref_slice %arg3[%dma_wait3A_38, %dma_wait3A_39] : memref<100000x128xf32, #tpu.memory_space<hbm>> -> memref<128x128xf32, #tpu.memory_space<hbm>>
      tpu.wait_dma2 semaphore(%arg7 : memref<!tpu.dma_semaphore, #tpu.memory_space<semaphore_mem>>) src(%dma_wait3A_40 : memref<128x128xf32, #tpu.memory_space<hbm>>) dst(%arg6 : memref<128x128xf32, #tpu.memory_space<vmem>>)
    }
    %scan3A_26 = arith.constant 200 : i32
    %scan3A_27 = arith.constant 0 : i32
    %scan3A_28 = arith.constant 5.000000e-03 : f32
    %scan3A_29 = arith.constant 0 : i32
    %scan3A_30 = arith.constant 128 : i32
    %scan3A_31 = arith.addi %scan3A_29, %scan3A_30 : i32
    %scan3A_32 = arith.constant 1 : i32
    scf.for %scan3A_34 = %scan3A_29 to %scan3A_31 step %scan3A_32  : i32 {
      %get3A = arith.index_cast %scan3A_34 : i32 to index
      %get3A_35 = arith.constant 0 : index
      %get3A_36 = tpu.vector_load %arg6[%get3A, %get3A_35] {strides = array<i32>} : memref<128x128xf32, #tpu.memory_space<vmem>>, vector<1x16xf32>,
      %get3A_37 = vector.shape_cast %get3A_36 : vector<1x16xf32> to vector<16xf32>
      %mul3A_38 = vector.broadcast %scan3A_28 : f32 to vector<16xf32>
      %mul3A_39 = arith.mulf %get3A_37, %mul3A_38 : vector<16xf32>
      %swap3A = arith.index_cast %scan3A_34 : i32 to index
      %swap3A_40 = arith.constant 0 : index
      %swap3A_41 = tpu.vector_load %arg6[%swap3A, %swap3A_40] {strides = array<i32>} : memref<128x128xf32, #tpu.memory_space<vmem>>, vector<1x16xf32>,
      %swap3A_42 = vector.shape_cast %swap3A_41 : vector<1x16xf32> to vector<16xf32>
      %swap3A_43 = vector.shape_cast %mul3A_39 : vector<16xf32> to vector<1x16xf32>
      tpu.vector_store %arg6[%swap3A, %swap3A_40], %swap3A_43 {strides = array<i32>} : memref<128x128xf32, #tpu.memory_space<vmem>>, vector<1x16xf32>,
      %get3A_44 = arith.index_cast %scan3A_34 : i32 to index
      %get3A_45 = arith.constant 16 : index
      %get3A_46 = tpu.vector_load %arg6[%get3A_44, %get3A_45] {strides = array<i32>} : memref<128x128xf32, #tpu.memory_space<vmem>>, vector<1x16xf32>,
      %get3A_47 = vector.shape_cast %get3A_46 : vector<1x16xf32> to vector<16xf32>
      %mul3A_48 = vector.broadcast %scan3A_28 : f32 to vector<16xf32>
      %mul3A_49 = arith.mulf %get3A_47, %mul3A_48 : vector<16xf32>
      %swap3A_50 = arith.index_cast %scan3A_34 : i32 to index
      %swap3A_51 = arith.constant 16 : index
      %swap3A_52 = tpu.vector_load %arg6[%swap3A_50, %swap3A_51] {strides = array<i32>} : memref<128x128xf32, #tpu.memory_space<vmem>>, vector<1x16xf32>,
      %swap3A_53 = vector.shape_cast %swap3A_52 : vector<1x16xf32> to vector<16xf32>
      %swap3A_54 = vector.shape_cast %mul3A_49 : vector<16xf32> to vector<1x16xf32>
      tpu.vector_store %arg6[%swap3A_50, %swap3A_51], %swap3A_54 {strides = array<i32>} : memref<128x128xf32, #tpu.memory_space<vmem>>, vector<1x16xf32>,
      %get3A_55 = arith.index_cast %scan3A_34 : i32 to index
      %get3A_56 = arith.constant 32 : index
      %get3A_57 = tpu.vector_load %arg6[%get3A_55, %get3A_56] {strides = array<i32>} : memref<128x128xf32, #tpu.memory_space<vmem>>, vector<1x16xf32>,
      %get3A_58 = vector.shape_cast %get3A_57 : vector<1x16xf32> to vector<16xf32>
      %mul3A_59 = vector.broadcast %scan3A_28 : f32 to vector<16xf32>
      %mul3A_60 = arith.mulf %get3A_58, %mul3A_59 : vector<16xf32>
      %swap3A_61 = arith.index_cast %scan3A_34 : i32 to index
      %swap3A_62 = arith.constant 32 : index
      %swap3A_63 = tpu.vector_load %arg6[%swap3A_61, %swap3A_62] {strides = array<i32>} : memref<128x128xf32, #tpu.memory_space<vmem>>, vector<1x16xf32>,
      %swap3A_64 = vector.shape_cast %swap3A_63 : vector<1x16xf32> to vector<16xf32>
      %swap3A_65 = vector.shape_cast %mul3A_60 : vector<16xf32> to vector<1x16xf32>
      tpu.vector_store %arg6[%swap3A_61, %swap3A_62], %swap3A_65 {strides = array<i32>} : memref<128x128xf32, #tpu.memory_space<vmem>>, vector<1x16xf32>,
      %get3A_66 = arith.index_cast %scan3A_34 : i32 to index
      %get3A_67 = arith.constant 48 : index
      %get3A_68 = tpu.vector_load %arg6[%get3A_66, %get3A_67] {strides = array<i32>} : memref<128x128xf32, #tpu.memory_space<vmem>>, vector<1x16xf32>,
      %get3A_69 = vector.shape_cast %get3A_68 : vector<1x16xf32> to vector<16xf32>
      %mul3A_70 = vector.broadcast %scan3A_28 : f32 to vector<16xf32>
      %mul3A_71 = arith.mulf %get3A_69, %mul3A_70 : vector<16xf32>
      %swap3A_72 = arith.index_cast %scan3A_34 : i32 to index
      %swap3A_73 = arith.constant 48 : index
      %swap3A_74 = tpu.vector_load %arg6[%swap3A_72, %swap3A_73] {strides = array<i32>} : memref<128x128xf32, #tpu.memory_space<vmem>>, vector<1x16xf32>,
      %swap3A_75 = vector.shape_cast %swap3A_74 : vector<1x16xf32> to vector<16xf32>
      %swap3A_76 = vector.shape_cast %mul3A_71 : vector<16xf32> to vector<1x16xf32>
      tpu.vector_store %arg6[%swap3A_72, %swap3A_73], %swap3A_76 {strides = array<i32>} : memref<128x128xf32, #tpu.memory_space<vmem>>, vector<1x16xf32>,
      %get3A_77 = arith.index_cast %scan3A_34 : i32 to index
      %get3A_78 = arith.constant 64 : index
      %get3A_79 = tpu.vector_load %arg6[%get3A_77, %get3A_78] {strides = array<i32>} : memref<128x128xf32, #tpu.memory_space<vmem>>, vector<1x16xf32>,
      %get3A_80 = vector.shape_cast %get3A_79 : vector<1x16xf32> to vector<16xf32>
      %mul3A_81 = vector.broadcast %scan3A_28 : f32 to vector<16xf32>
      %mul3A_82 = arith.mulf %get3A_80, %mul3A_81 : vector<16xf32>
      %swap3A_83 = arith.index_cast %scan3A_34 : i32 to index
      %swap3A_84 = arith.constant 64 : index
      %swap3A_85 = tpu.vector_load %arg6[%swap3A_83, %swap3A_84] {strides = array<i32>} : memref<128x128xf32, #tpu.memory_space<vmem>>, vector<1x16xf32>,
      %swap3A_86 = vector.shape_cast %swap3A_85 : vector<1x16xf32> to vector<16xf32>
      %swap3A_87 = vector.shape_cast %mul3A_82 : vector<16xf32> to vector<1x16xf32>
      tpu.vector_store %arg6[%swap3A_83, %swap3A_84], %swap3A_87 {strides = array<i32>} : memref<128x128xf32, #tpu.memory_space<vmem>>, vector<1x16xf32>,
      %get3A_88 = arith.index_cast %scan3A_34 : i32 to index
      %get3A_89 = arith.constant 80 : index
      %get3A_90 = tpu.vector_load %arg6[%get3A_88, %get3A_89] {strides = array<i32>} : memref<128x128xf32, #tpu.memory_space<vmem>>, vector<1x16xf32>,
      %get3A_91 = vector.shape_cast %get3A_90 : vector<1x16xf32> to vector<16xf32>
      %mul3A_92 = vector.broadcast %scan3A_28 : f32 to vector<16xf32>
      %mul3A_93 = arith.mulf %get3A_91, %mul3A_92 : vector<16xf32>
      %swap3A_94 = arith.index_cast %scan3A_34 : i32 to index
      %swap3A_95 = arith.constant 80 : index
      %swap3A_96 = tpu.vector_load %arg6[%swap3A_94, %swap3A_95] {strides = array<i32>} : memref<128x128xf32, #tpu.memory_space<vmem>>, vector<1x16xf32>,
      %swap3A_97 = vector.shape_cast %swap3A_96 : vector<1x16xf32> to vector<16xf32>
      %swap3A_98 = vector.shape_cast %mul3A_93 : vector<16xf32> to vector<1x16xf32>
      tpu.vector_store %arg6[%swap3A_94, %swap3A_95], %swap3A_98 {strides = array<i32>} : memref<128x128xf32, #tpu.memory_space<vmem>>, vector<1x16xf32>,
      %get3A_99 = arith.index_cast %scan3A_34 : i32 to index
      %get3A_100 = arith.constant 96 : index
      %get3A_101 = tpu.vector_load %arg6[%get3A_99, %get3A_100] {strides = array<i32>} : memref<128x128xf32, #tpu.memory_space<vmem>>, vector<1x16xf32>,
      %get3A_102 = vector.shape_cast %get3A_101 : vector<1x16xf32> to vector<16xf32>
      %mul3A_103 = vector.broadcast %scan3A_28 : f32 to vector<16xf32>
      %mul3A_104 = arith.mulf %get3A_102, %mul3A_103 : vector<16xf32>
      %swap3A_105 = arith.index_cast %scan3A_34 : i32 to index
      %swap3A_106 = arith.constant 96 : index
      %swap3A_107 = tpu.vector_load %arg6[%swap3A_105, %swap3A_106] {strides = array<i32>} : memref<128x128xf32, #tpu.memory_space<vmem>>, vector<1x16xf32>,
      %swap3A_108 = vector.shape_cast %swap3A_107 : vector<1x16xf32> to vector<16xf32>
      %swap3A_109 = vector.shape_cast %mul3A_104 : vector<16xf32> to vector<1x16xf32>
      tpu.vector_store %arg6[%swap3A_105, %swap3A_106], %swap3A_109 {strides = array<i32>} : memref<128x128xf32, #tpu.memory_space<vmem>>, vector<1x16xf32>,
      %get3A_110 = arith.index_cast %scan3A_34 : i32 to index
      %get3A_111 = arith.constant 112 : index
      %get3A_112 = tpu.vector_load %arg6[%get3A_110, %get3A_111] {strides = array<i32>} : memref<128x128xf32, #tpu.memory_space<vmem>>, vector<1x16xf32>,
      %get3A_113 = vector.shape_cast %get3A_112 : vector<1x16xf32> to vector<16xf32>
      %mul3A_114 = vector.broadcast %scan3A_28 : f32 to vector<16xf32>
      %mul3A_115 = arith.mulf %get3A_113, %mul3A_114 : vector<16xf32>
      %swap3A_116 = arith.index_cast %scan3A_34 : i32 to index
      %swap3A_117 = arith.constant 112 : index
      %swap3A_118 = tpu.vector_load %arg6[%swap3A_116, %swap3A_117] {strides = array<i32>} : memref<128x128xf32, #tpu.memory_space<vmem>>, vector<1x16xf32>,
      %swap3A_119 = vector.shape_cast %swap3A_118 : vector<1x16xf32> to vector<16xf32>
      %swap3A_120 = vector.shape_cast %mul3A_115 : vector<16xf32> to vector<1x16xf32>
      tpu.vector_store %arg6[%swap3A_116, %swap3A_117], %swap3A_120 {strides = array<i32>} : memref<128x128xf32, #tpu.memory_space<vmem>>, vector<1x16xf32>,
    }
    %scan3A_33 = arith.constant 128 : i32
    "tpu.region"() ({
      %run_scoped3A = tpu.sem_alloc : memref<!tpu.dma_semaphore, #tpu.memory_space<semaphore_mem>>
      %dma_start3A_34 = arith.constant 0 : i32
      %dma_start3A_35 = tpu.memref_slice %arg4[%mul3A_2, %dma_start3A_34] : memref<4096x128xf32, #tpu.memory_space<hbm>> -> memref<128x128xf32, #tpu.memory_space<hbm>>
      %dma_start3A_36 = arith.constant 0 : i32
      %dma_start3A_37 = tpu.memref_slice %arg4[%mul3A_2, %dma_start3A_36] : memref<4096x128xf32, #tpu.memory_space<hbm>> -> memref<128x128xf32, #tpu.memory_space<hbm>>
      tpu.enqueue_dma source(%arg6 : memref<128x128xf32, #tpu.memory_space<vmem>>) target(%dma_start3A_37 : memref<128x128xf32, #tpu.memory_space<hbm>>) target_semaphore(%run_scoped3A : memref<!tpu.dma_semaphore, #tpu.memory_space<semaphore_mem>>)
      %dma_wait3A_38 = arith.constant 0 : i32
      %dma_wait3A_39 = tpu.memref_slice %arg4[%mul3A_2, %dma_wait3A_38] : memref<4096x128xf32, #tpu.memory_space<hbm>> -> memref<128x128xf32, #tpu.memory_space<hbm>>
      %dma_wait3A_40 = arith.constant 0 : i32
      %dma_wait3A_41 = tpu.memref_slice %arg4[%mul3A_2, %dma_wait3A_40] : memref<4096x128xf32, #tpu.memory_space<hbm>> -> memref<128x128xf32, #tpu.memory_space<hbm>>
      tpu.wait_dma2 semaphore(%run_scoped3A : memref<!tpu.dma_semaphore, #tpu.memory_space<semaphore_mem>>) src(%arg6 : memref<128x128xf32, #tpu.memory_space<vmem>>) dst(%dma_wait3A_41 : memref<128x128xf32, #tpu.memory_space<hbm>>)
      tpu.yield
    }) : () -> ()
    return
  }
}

</mosaic_0001>

<sc_bundles>
// kernel: kernel.3.cloned.1.call-start
scs
__scs_entry_jumppad:
0x0: {  	(pc) =	sbr.rel $0x88, $3  }
0x1: {  	(tag) =	ssettag $0x0;
	lr =	simm.s32 $0x1  }
0x2: {  	[smem:$0x3F9F] =	sst lr;
	_ =	strace $0xD0000000  }
0x3: {  	_ = 	snop  }
0x4: {  	_ = 	snop  }
0x5: {  	_ = 	snop  }
0x6: {  	_ = 	snop  }
0x7: {  	_ = 	snop  }
__scs_overlays_trampoline_lowered:
0x8: {  	[smem:$0x3FAE] =	sst s0  }
0x9: {  	[smem:$0x3FAF] =	sst s1  }
0xa: {  	[smem:$0x3FB0] =	sst s2  }
0xb: {  	[smem:$0x3FB1] =	sst s3  }
0xc: {  	[smem:$0x3FB2] =	sst s4  }
0xd: {  	[smem:$0x3FB3] =	sst s5  }
0xe: {  	[smem:$0x3FB4] =	sst s6  }
0xf: {  	[smem:$0x3FB5] =	sst s7  }
0x10: {  	[smem:$0x3FB6] =	sst s8  }
0x11: {  	[smem:$0x3FB7] =	sst s9;
	s0 =	simm.s32 @!p0 $0x0  }
0x12: {  	s1 =	sld [smem:$0x3F9D];
	s0 =	simm.s32 @p0 $0x1  }
0x13: {  	[smem:$0x3FB8] =	sst s0;
	s0 =	simm.s32 @!p1 $0x0  }
0x14: {  	s2 =	sld [smem:$0x3F9C];
	s0 =	simm.s32 @p1 $0x1  }
0x15: {  	[smem:$0x3FB9] =	sst s0;
	s0 =	simm.s32 @!p2 $0x0  }
0x16: {  	s3 =	sld [smem:$0x3FDB];
	s0 =	simm.s32 @p2 $0x1  }
0x17: {  	s4 =	simm.s32 $0x1BF5;
	[smem:$0x3FBB] =	sst s0  }
0x18: {  	s0 =	sld [smem:$0x3F9E];
	_ =	swait.ge [sflag:s4], $0x0  }
0x19: {  	s7 =	sld [smem:$0x3F9F]  }
0x1a: {  	s8 =	sadd.s32 $0xFFFFE003, lr  }
0x1b: {  	s9 =	sadd.s32 $0xFFFFFEF7, lr;
	s5 =	simm.s32 $0xFFFFFFFF;
	p2 =	slt.u32 s8, $0xFFFFF086  }
0x1c: {  	p1 =	slt.u32 s9, $0xF7A;
	s5 =	simm.s32 @!p2 $0x0  }
0x1d: {  	s5 =	simm.s32 @p1 $0x1;
	p0 =	seq.s32 s7, s2  }
0x1e: {  	s7 =	smul.u32 @!p0 $0xF7A, s2;
	p2 =	seq.s32 @!p0 s5, $0x0  }
0x1f: {  	s9 =	smul.u32 $0xF7A, s1;
	s8 =	simm.s32 @!p0 $0x1BF5;
	p2 =	por !p2, p0  }
0x20: {  	[sflag:s8] =	ssyncset.s32 @!p0 $0xFFFFF086;
	s6 =	sadd.s32 @!p0 s3, s7;
	s7 =	simm.s32 @!p0 $0x108  }
0x21: {  	s3 =	sadd.s32 s3, s9;
	s6 =	sadd.s32 @!p0 $0x88, s6;
	s7 =	simm.s32 @p2 $0x1082  }
0x22: {  	[simem:s7], [sflag:s8] =	dma.local @!p0 [hbm:s6], $0xF7A  }
0x23: {  	s9 =	sor.u32 $0xD0000000, s2;
	s6 =	simm.s32 $0x108;
	_ =	swait.ge @!p0 [sflag:s8], $0x0  }
0x24: {  	s3 =	sadd.s32 $0x88, s3;
	s6 =	simm.s32 @!p1 $0x1082;
	[sflag:s4] =	ssyncset.s32 $0xFFFFF086  }
0x25: {  	[simem:s6], [sflag:s4] =	dma.local [hbm:s3], $0xF7A  }
0x26: {  	[smem:$0x3F9F] =	sst s1;
	(tag) =	ssettag s2;
	_ =	strace s9  }
0x27: {  	s1 =	sld [smem:$0x3FAF]  }
0x28: {  	s2 =	sld [smem:$0x3FB0]  }
0x29: {  	s4 =	sld [smem:$0x3FB2]  }
0x2a: {  	p0 =	seq.s32 s5, $0x0;
	s5 =	sld [smem:$0x3FB3]  }
0x2b: {  	s6 =	sld [smem:$0x3FB4]  }
0x2c: {  	s7 =	sld [smem:$0x3FB5]  }
0x2d: {  	s3 =	simm.s32 $0x108;
	s8 =	sld [smem:$0x3FB6]  }
0x2e: {  	s3 =	simm.s32 @!p0 $0x1082;
	s9 =	sld [smem:$0x3FB7]  }
0x2f: {  	lr =	sadd.s32 s0, s3;
	s0 =	sld [smem:$0x3FAE]  }
0x30: {  	s3 =	sld [smem:$0x3FB1]  }
0x31: {  	[smem:$0x3FBA] =	sst s10  }
0x32: {  	s10 =	sld [smem:$0x3FB8];
	_ =	sdelay $0x3  }
0x33: {  	p0 =	seq.s32 s10, $0x1;
	s10 =	sld [smem:$0x3FBA];
	_ =	sdelay $0x3  }
0x34: {  	[smem:$0x3FBA] =	sst s10  }
0x35: {  	s10 =	sld [smem:$0x3FB9];
	_ =	sdelay $0x3  }
0x36: {  	p1 =	seq.s32 s10, $0x1;
	s10 =	sld [smem:$0x3FBA];
	_ =	sdelay $0x3  }
0x37: {  	[smem:$0x3FBA] =	sst s10  }
0x38: {  	s10 =	sld [smem:$0x3FBB]  }
0x39: {  	_ = 	snop;
	(pc) =	sbr.ind lr, $3  }
0x3a: {  	_ = 	snop  }
0x3b: {  	_ = 	snop  }
0x3c: {  	p2 =	seq.s32 s10, $0x1;
	s10 =	sld [smem:$0x3FBA]  }
0x3d: {  	_ =	shalt  }
0x3e: {  	_ =	shalt  }
0x3f: {  	_ =	shalt  }
0x40: {  	_ =	shalt  }
0x41: {  	_ =	shalt  }
0x42: {  	_ =	shalt  }
0x43: {  	_ =	shalt  }
0x44: {  	_ =	shalt  }
0x45: {  	_ =	shalt  }
0x46: {  	_ =	shalt  }
0x47: {  	_ =	shalt  }
0x48: {  	_ =	shalt  }
0x49: {  	_ =	shalt  }
0x4a: {  	_ =	shalt  }
0x4b: {  	_ =	shalt  }
0x4c: {  	_ =	shalt  }
0x4d: {  	_ =	shalt  }
0x4e: {  	_ =	shalt  }
0x4f: {  	_ =	shalt  }
0x50: {  	_ =	shalt  }
0x51: {  	_ =	shalt  }
0x52: {  	_ =	shalt  }
0x53: {  	_ =	shalt  }
0x54: {  	_ =	shalt  }
0x55: {  	_ =	shalt  }
0x56: {  	_ =	shalt  }
0x57: {  	_ =	shalt  }
0x58: {  	_ =	shalt  }
0x59: {  	_ =	shalt  }
0x5a: {  	_ =	shalt  }
0x5b: {  	_ =	shalt  }
0x5c: {  	_ =	shalt  }
0x5d: {  	_ =	shalt  }
0x5e: {  	_ =	shalt  }
0x5f: {  	_ =	shalt  }
0x60: {  	_ =	shalt  }
0x61: {  	_ =	shalt  }
0x62: {  	_ =	shalt  }
0x63: {  	_ =	shalt  }
0x64: {  	_ =	shalt  }
0x65: {  	_ =	shalt  }
0x66: {  	_ =	shalt  }
0x67: {  	_ =	shalt  }
0x68: {  	_ =	shalt  }
0x69: {  	_ =	shalt  }
0x6a: {  	_ =	shalt  }
0x6b: {  	_ =	shalt  }
0x6c: {  	_ =	shalt  }
0x6d: {  	_ =	shalt  }
0x6e: {  	_ =	shalt  }
0x6f: {  	_ =	shalt  }
0x70: {  	_ =	shalt  }
0x71: {  	_ =	shalt  }
0x72: {  	_ =	shalt  }
0x73: {  	_ =	shalt  }
0x74: {  	_ =	shalt  }
0x75: {  	_ =	shalt  }
0x76: {  	_ =	shalt  }
0x77: {  	_ =	shalt  }
0x78: {  	_ =	shalt  }
0x79: {  	_ =	shalt  }
0x7a: {  	_ =	shalt  }
0x7b: {  	_ =	shalt  }
0x7c: {  	_ =	shalt  }
0x7d: {  	_ =	shalt  }
0x7e: {  	_ =	shalt  }
0x7f: {  	_ =	shalt  }
0x80: {  	_ =	shalt  }
0x81: {  	_ =	shalt  }
0x82: {  	_ =	shalt  }
0x83: {  	_ =	shalt  }
0x84: {  	_ =	shalt  }
0x85: {  	_ =	shalt  }
0x86: {  	_ =	shalt  }
0x87: {  	_ =	shalt  }
.Lfunc_end0:
.L_simem_size_0:
called_computation_lowered:
.L_overlay_start_0:
0x88: {  	s2 =	sld [smem:$0x3FD9]  }
0x89: {  	s3 =	sld [smem:$0x3FFE];
	_ =	sdelay $0x1  }
0x8a: {  	s1 =	srdreg.scid  }
0x8b: {  	s0 =	sand.u32 $0x1, s1  }
0x8c: {  	s18 =	sshll.u32 s0, $0xA;
	s2 =	sadd.s32 s3, s2  }
0x8d: {  	s2 =	sadd.s32 s2, s18  }
0x8e: {  	[smem:$0x3FC6] =	sst s2  }
0x8f: {  	_ = 	snop  }
0x90: {  	s2 =	sld [smem:$0x3FC9]  }
0x91: {  	s19 =	sld [smem:$0x3FC8]  }
0x92: {  	s4 =	sld [smem:$0x3FD0];
	(tm) =	ssettm $0x1  }
0x93: {  	s5 =	sld [smem:$0x3FFB];
	_ =	sdelay $0x3  }
0x94: {  	_ =	strace s5  }
0x95: {  	s5 =	sld [smem:$0x3FFC];
	_ =	sdelay $0x3  }
0x96: {  	_ =	strace s5  }
0x97: {  	s5 =	sld [smem:$0x3FFD];
	_ =	sdelay $0x3  }
0x98: {  	_ =	strace s5  }
0x99: {  	_ =	strace $0x8FFFFFFF  }
0x9a: {  	s20 =	sld [smem:$0x3FDB];
	_ =	sdelay $0x1  }
0x9b: {  	s6 =	simm.s32 $_scs_section_size  }
0x9c: {  	s7 =	simm.s32 $_size__tile_overlayer_lowered;
	s8 =	simm.s32 $_tile_overlayer_lowered  }
0x9d: {  	s23 =	simm.s32 $0x1BFF;
	s22 =	sshll.u32 s8, $0x1;
	s5 =	sadd.s32 s6, s20  }
0x9e: {  	s9 =	simm.s32 $0x0;
	s21 =	sshll.u32 s7, $0x1;
	s7 =	sadd.s32 s22, s5  }
0x9f: {  	[timem:s9], [sflag:s23] =	dma.local [hbm:s7], s21  }
0xa0: {  	_ =	swait.ge [sflag:s23], s21  }
0xa1: {  	s6 =	ssub.s32 $0x0, s21;
	[sflag:s23] =	ssyncset.done $0x0  }
0xa2: {  	[sflag:s23] =	ssyncadd.s32 s6;
	_ =	sdelay $0x1  }
0xa3: {  	s24 =	simm.s32 $0x1B8B  }
0xa4: {  	_ =	swait.ge [sflag:s24], $0x1  }
0xa5: {  	[sflag:s24] =	ssyncset.done $0x0  }
0xa6: {  	s25 =	simm.s32 $0x1B8E;
	[sflag:s24] =	ssyncadd.s32 $0xFFFFFFFF  }
0xa7: {  	s26 =	simm.s32 $execute0_lowered;
	[smem:$0x3FD2] =	sst s25  }
0xa8: {  	s6 =	sshll.u32 s26, $0x1;
	_ =	strace $0x80000046;
	[dreg:$0x1] =	wrdreg $0xFFFFFFFF  }
0xa9: {  	s28 =	simm.s32 $_size_execute0_lowered;
	s5 =	sadd.s32 s5, s6;
	[dreg:$0x0] =	wrdreg $0x0  }
0xaa: {  	s6 =	sshll.u32 s28, $0x1;
	[dreg:$0x2] =	wrdreg s5  }
0xab: {  	[dreg:$0x3] =	wrdreg s6  }
0xac: {  	[dreg:$0x4] =	wrdreg $0xC0  }
0xad: {  	_ =	task [dreg:s9], $0x5FFFF  }
0xae: {  	[dreg:$0x1] =	wrdreg $0xFFFFFFFF  }
0xaf: {  	[dreg:$0x0] =	wrdreg $0x60  }
0xb0: {  	[dreg:$0x2] =	wrdreg s2  }
0xb1: {  	[dreg:$0x3] =	wrdreg s19  }
0xb2: {  	[dreg:$0x4] =	wrdreg s4  }
0xb3: {  	[dreg:$0x5] =	wrdreg $0x9  }
0xb4: {  	_ =	task.clear_ibuf [dreg:s9], $0x6FFFF;
	_ =	strace $0x90000046  }
0xb5: {  	s29 =	simm.s32 $0x9;
	_ =	strace $0x80000048  }
0xb6: {  	_ =	swait.ge [sflag:s29], $0x1  }
0xb7: {  	[sflag:s29] =	ssyncadd.s32 $0xFFFFFFFF  }
0xb8: {  	_ =	strace $0x90000048  }
0xb9: {  	_ =	sfence  }
0xba: {  	s30 =	sld [smem:$0x0];
	_ =	sdelay $0x2  }
0xbb: {  	s31 =	sshll.u32 s1, $0xD;
	s1 =	sshrl.u32 s1, $0x2  }
0xbc: {  	s3 =	sand.u32 $0x4000, s31;
	s1 =	sadd.s32 s1, s30  }
0xbd: {  	s0 =	sor.u32 s3, s0;
	s1 =	sshll.u32 s1, $0x11  }
0xbe: {  	s0 =	sor.u32 s1, s0  }
0xbf: {  	s0 =	sadd.s32 $0x8F2B, s0  }
0xc0: {  	[sflag:s0] =	ssyncadd.remote.s32 $0x1  }
0xc1: {  	_ =	sfence.sel $0xFFFF  }
0xc2: {  	[dreg:$0x0] =	wrdreg $0xFFFFFFFF;
	(pc) =	sbr.abs _section_cstart, $3  }
0xc3: {  	[dreg:$0x1] =	wrdreg $0xFFFFFFFF  }
0xc4: {  	_ =	task.clear_ibuf [dreg:s9], $0x2FFFF;
	_ =	strace $0x9FFFFFFF  }
0xc5: {  	(tm) =	ssettm $0x7FFFFFFF  }
tec
execute0_lowered:
.L_overlay_start_1:
0x0: {  	(tag) =	ssettag $0x1  }
0x1: {  	s4 =	rddreg [dreg:$0x0]  }
0x2: {  	s2 =	rddreg [dreg:$0x1]  }
0x3: {  	s5 =	rddreg [dreg:$0x2];
	s3 =	srdreg.scid  }
0x4: {  	s0 =	rddreg [dreg:$0x3];
	s1 =	stileid.u32;
	s10 =	simm.s32 $0x80  }
0x5: {  	s11 =	simm.s32 $0x6400;
	s12 =	simm.s32 $0x1;
	s13 =	simm.s32 $0x3  }
0x6: {  	s14 =	simm.s32 $0x0;
	s6 =	sand.u32 $0x1, s3;
	s3 =	simm.s32 $0x0  }
0x7: {  	s7 =	sshll.u32 s1, $0x8;
	s8 =	sshll.u32 s6, $0x7;
	[smem:$0x7FF] =	sst s3  }
0x8: {  	s6 =	ssub.s32 $0x2, s6;
	s7 =	sor.u32 s8, s7;
	_ =	strace $0x80000047  }
0x9: {  	s31 =	sshrl.u32 s6, $0x1;
	s8 =	simm.s32 $0x8000;
	s9 =	sshll.u32 s7, $0x4  }
0xa: {  	s6 =	ssub.s32 s6, s31;
	s4 =	sadd.s32 s4, s7;
	s7 =	simm.s32 $0x400  }
0xb: {  	v0 =	vimm.f32 $0.0e+00;
	s5 =	sadd.s32 s5, s9;
	s6 =	smax.u32 s6, $0x1;
	s9 =	simm.s32 $0x2  }
.LBB2_1:
0xc: {  	[tilespmem:s3], [sflag:$0x2] =	stream.strided.gather [hbm4b:s4+s7], $0x6400, s8, s7, $0x38;
	[tilespmem:$0xA400] =	vst v63  }
0xd: {  	s15 =	simm.s32 $0x0;
	s16 =	simm.s32 $0x200  }
.LBB2_2:
0xe: {  	p0 =	sne.s32 s16, $0xFE00;
	[tilespmem:s15+$0x6470] =	vst v0  }
0xf: {  	[tilespmem:s15+$0x6400] =	vst v0  }
0x10: {  	[tilespmem:s15+$0x6410] =	vst v0  }
.Ltmp0:
0x11: {  	[tilespmem:s15+$0x6420] =	vst v0;
	(pc) =	sbr.rel @p0 .LBB2_2-.Ltmp0, $4  }
0x12: {  	[tilespmem:s15+$0x6430] =	vst v0  }
0x13: {  	[tilespmem:s15+$0x6440] =	vst v0  }
0x14: {  	[tilespmem:s15+$0x6450] =	vst v0  }
0x15: {  	[tilespmem:s15+$0x6460] =	vst v0;
	s15 =	sshra.s32 s16, $0x2;
	s16 =	sadd.s32 $0x200, s16  }
0x16: {  	[tilespmem:s15+$0x6470] =	vst v0  }
0x17: {  	[tilespmem:s15+$0x6400] =	vst v0  }
0x18: {  	[tilespmem:s15+$0x6410] =	vst v0  }
0x19: {  	[tilespmem:s15+$0x6420] =	vst v0  }
0x1a: {  	[tilespmem:s15+$0x6430] =	vst v0  }
0x1b: {  	[tilespmem:s15+$0x6440] =	vst v0  }
0x1c: {  	[tilespmem:s15+$0x6450] =	vst v0  }
0x1d: {  	[tilespmem:s15+$0x6460] =	vst v0  }
0x1e: {  	_ =	swait.ge [sflag:s9], $0x6400  }
0x1f: {  	[sflag:s9] =	ssyncset.done $0x0  }
0x20: {  	s15 =	simm.s32 $0x0;
	[sflag:s9] =	ssyncadd.s32 $0xFFFF9C00  }
.LBB2_4:
0x21: {  	p0 =	sne.s32 s15, $0x18E00  }
.Ltmp1:
0x22: {  	_ = 	snop;
	(pc) =	sbr.rel @p0 .LBB2_4-.Ltmp1, $3  }
0x23: {  	_ =	sdelay $0x1  }
0x24: {  	s16 =	sshra.s32 s15, $0x2;
	s15 =	sadd.s32 $0x200, s15  }
0x25: {  	[tilespmem:s11], [sflag:$0x1] =	stream.indirect.gather.add.f32 [hbm:s2], $0x80, s16, s10, $0xb8;
	[tilespmem:$0xA400] =	vst v63  }
0x26: {  	s15 =	simm.s32 $0xC8  }
.LBB2_6:
0x27: {  	p0 =	sne.s32 s15, $0x1  }
.Ltmp2:
0x28: {  	_ = 	snop;
	(pc) =	sbr.rel @p0 .LBB2_6-.Ltmp2, $4  }
0x29: {  	_ = 	snop  }
0x2a: {  	_ =	swait.ge [sflag:s12], $0x4000  }
0x2b: {  	[sflag:s12] =	ssyncset.done $0x0  }
0x2c: {  	s15 =	sadd.s32 $0xFFFFFFFF, s15;
	[sflag:s12] =	ssyncadd.s32 $0xFFFFC000  }
0x2d: {  	s15 =	simm.s32 $0x0  }
0x2e: {  	v4 =	vld [tilespmem:s15+$0x6400]  }
0x2f: {  	v6 =	vld [tilespmem:s15+$0x6410]  }
0x30: {  	v5 =	vld [tilespmem:s15+$0x6420]  }
0x31: {  	v3 =	vld [tilespmem:s15+$0x6430]  }
0x32: {  	v1 =	vld [tilespmem:s15+$0x6440]  }
0x33: {  	v2 =	vld [tilespmem:s15+$0x6450];
	v7 =	vmul.f32 $4.999999890e-03, v4  }
0x34: {  	s16 =	simm.s32 $0x200;
	v6 =	vmul.f32 $4.999999890e-03, v6;
	v4 =	vld [tilespmem:s15+$0x6460]  }
.LBB2_8:
0x35: {  	s17 =	sshra.s32 s16, $0x2;
	p0 =	sne.s32 s16, $0xFE00;
	[tilespmem:s15+$0x6400] =	vst v7;
	v5 =	vmul.f32 $4.999999890e-03, v5;
	v7 =	vld [tilespmem:s15+$0x6470]  }
0x36: {  	v8 =	vld [tilespmem:s17+$0x6400];
	[tilespmem:s15+$0x6410] =	vst v6;
	v3 =	vmul.f32 $4.999999890e-03, v3  }
0x37: {  	v6 =	vld [tilespmem:s17+$0x6410];
	[tilespmem:s15+$0x6420] =	vst v5;
	v1 =	vmul.f32 $4.999999890e-03, v1  }
.Ltmp3:
0x38: {  	v5 =	vld [tilespmem:s17+$0x6420];
	[tilespmem:s15+$0x6430] =	vst v3;
	v2 =	vmul.f32 $4.999999890e-03, v2;
	(pc) =	sbr.rel @p0 .LBB2_8-.Ltmp3, $4  }
0x39: {  	v3 =	vld [tilespmem:s17+$0x6430];
	[tilespmem:s15+$0x6440] =	vst v1;
	v4 =	vmul.f32 $4.999999890e-03, v4  }
0x3a: {  	v1 =	vld [tilespmem:s17+$0x6440];
	[tilespmem:s15+$0x6450] =	vst v2;
	v9 =	vmul.f32 $4.999999890e-03, v7  }
0x3b: {  	v7 =	vmul.f32 $4.999999890e-03, v8;
	v2 =	vld [tilespmem:s17+$0x6450];
	[tilespmem:s15+$0x6460] =	vst v4  }
0x3c: {  	s16 =	sadd.s32 $0x200, s16;
	v6 =	vmul.f32 $4.999999890e-03, v6;
	v4 =	vld [tilespmem:s17+$0x6460];
	[tilespmem:s15+$0x6470] =	vst v9;
	s15 =	smov.u32 s17  }
0x3d: {  	[tilespmem:s15+$0x6400] =	vst v7;
	v5 =	vmul.f32 $4.999999890e-03, v5;
	v63 =	vld [tilespmem:s15+$0x6470]  }
0x3e: {  	[tilespmem:s15+$0x6410] =	vst v6;
	v3 =	vmul.f32 $4.999999890e-03, v3  }
0x3f: {  	[tilespmem:s15+$0x6420] =	vst v5;
	v1 =	vmul.f32 $4.999999890e-03, v1  }
0x40: {  	[tilespmem:s15+$0x6430] =	vst v3;
	v2 =	vmul.f32 $4.999999890e-03, v2  }
0x41: {  	[tilespmem:s15+$0x6440] =	vst v1;
	v1 =	vmul.f32 $4.999999890e-03, v4  }
0x42: {  	s14 =	sadd.s32 $0x1, s14;
	[tilespmem:s15+$0x6450] =	vst v2;
	v2 =	vmul.f32 $4.999999890e-03, v63  }
0x43: {  	p0 =	sne.s32 s14, s6;
	[tilespmem:s15+$0x6460] =	vst v1  }
.Ltmp4:
0x44: {  	[tilespmem:s15+$0x6470] =	vst v2;
	(pc) =	sbr.rel @p0 .LBB2_1-.Ltmp4, $4  }
0x45: {  	[hbm4b:s5+s3] =	stream.linear.scatter [tilespmem:s11], [sflag:$0x3], $0x4000, $0x38;
	[tilespmem:$0xA400] =	vst v63  }
0x46: {  	_ =	swait.ge [sflag:s13], $0x4000  }
0x47: {  	[sflag:s13] =	ssyncset.done $0x0  }
0x48: {  	[sflag:s13] =	ssyncadd.s32 $0xFFFFC000  }
0x49: {  	_ =	sfence.sel $0x180000  }
0x4a: {  	[bflag:$0x0] =	sbarrier.arrive $0xFFFF  }
0x4b: {  	p0 =	sne.s32 s1, $0x0;
	_ =	strace $0x90000047  }
0x4c: {  	s0 =	sadd.s32 @!p0 $0x100000, s0;
	[bflag:$0x2] =	sbarrier.arrive $0xFFFF  }
0x4d: {  	[sflag:s0] =	ssyncadd.tile.s32 @!p0 $0x1;
	_ =	shalt  }
.Lfunc_end2:
_tile_overlayer_lowered:
.L_overlay_start_2:
0x4e: {  	(tag) =	ssettag $0x2  }
0x4f: {  	s0 =	rddreg [dreg:$0x0];
	s2 =	stileid.u32  }
0x50: {  	s1 =	rddreg [dreg:$0x1];
	p0 =	sne.s32 s2, $0x0  }
0x51: {  	s3 =	rddreg [dreg:$0x2];
	[bflag:$0x3] =	sbarrier.arrive $0xFFFF;
	s2 =	simm.s32 @!p0 $0x1C03  }
0x52: {  	[timem:s3], [sflag:s2] =	dma.local @!p0 [hbm:s0], s1  }
0x53: {  	s0 =	simm.s32 @!p0 $0x3  }
0x54: {  	_ =	swait.ge @!p0 [sflag:s0], s1  }
0x55: {  	s1 =	ssub.s32 @!p0 $0x0, s1;
	[sflag:s0] =	ssyncset.done @!p0 $0x0  }
0x56: {  	[sflag:s0] =	ssyncadd.s32 @!p0 s1  }
0x57: {  	[bflag:$0x3] =	sbarrier.arrive $0xFFFF  }
0x58: {  	_ =	shalt  }

</sc_bundles>
